<compile_context>
chip_gen: v7x
topology: tpu7x:2x2x1
jax: 0.10.2.dev20260603
libtpu: 0.0.44.dev20260713+nightly
codegen_flags: <defaults>
</compile_context>

<pallas_src>
import functools

import jax
import jax.numpy as jnp
from jax import lax
from jax.experimental import pallas as pl
from jax.experimental.pallas import tpu as pltpu
from jax.experimental.pallas import tpu_sc as plsc

N_NODES = 10000
N_PAD = 10240
N_EDGES = 320000
D = 128

NC = 2
NS = 16
NW = NC * NS
EPT = N_EDGES // NW
CH = 80
NCHUNK = EPT // CH
SB = 25
NSB = NCHUNK // SB
RPT = N_PAD // NS
ZROWS = 64
NPAIR = (SB - 1) // 2

_mesh = plsc.VectorSubcoreMesh(core_axis_name="c", subcore_axis_name="s")


@functools.partial(
    pl.kernel,
    out_type=(
        jax.ShapeDtypeStruct((NC, N_PAD, D), jnp.bfloat16),
        jax.ShapeDtypeStruct((NW * N_PAD,), jnp.float32),
    ),
    mesh=_mesh,
    compiler_params=pltpu.CompilerParams(needs_layout_passes=False, use_tc_tiling_on_sc=False),
    scratch_types=[
        pltpu.VMEM((SB, CH), jnp.int32),
        pltpu.VMEM((SB, CH), jnp.int32),
        pltpu.VMEM((CH, D), jnp.bfloat16),
        pltpu.VMEM((CH, D), jnp.bfloat16),
        pltpu.VMEM((CH, D), jnp.bfloat16),
        pltpu.VMEM((CH, D), jnp.bfloat16),
        pltpu.VMEM((N_PAD,), jnp.float32),
        pltpu.VMEM((ZROWS, D), jnp.bfloat16),
        pltpu.VMEM_SHARED((N_PAD, D), jnp.bfloat16),
        pltpu.VMEM_SHARED((N_PAD, D), jnp.bfloat16),
        pltpu.SemaphoreType.DMA,
        pltpu.SemaphoreType.DMA,
        pltpu.SemaphoreType.DMA,
        pltpu.SemaphoreType.DMA,
        pltpu.SemaphoreType.DMA,
        pltpu.SemaphoreType.DMA,
        pltpu.SemaphoreType.DMA,
        pltpu.SemaphoreType.DMA,
    ],
)
def _sc_aggregate(src_hbm, dst_hbm, x_hbm, aggp_hbm, degp_hbm,
                  src_v, dst_v, rows0_v, rows1_v, rows2_v, rows3_v, deg_v,
                  zero_v, acc_sh, x_sh, semg0, semg1, semg2, semg3,
                  sems0, sems1, sems2, sems3):
    c = lax.axis_index("c")
    s = lax.axis_index("s")
    wid = s * NC + c
    pltpu.sync_copy(deg_v, degp_hbm.at[pl.ds(wid * N_PAD, N_PAD)])


def _tc_layer_body(aggp_ref, degp_ref, x_ref, wl_ref, bl_ref, wr_ref, o_ref,
                   obf_ref=None, *, relu):
    agg = (aggp_ref[0].astype(jnp.float32) + aggp_ref[1].astype(jnp.float32))
    deg = jnp.sum(degp_ref[...], axis=1)
    mean = agg / jnp.maximum(deg, 1.0)[:, None]
    dn = (((1,), (1,)), ((), ()))
    out = lax.dot_general(mean, wl_ref[...], dn,
                          precision=lax.Precision.HIGHEST,
                          preferred_element_type=jnp.float32)
    out = out + bl_ref[...]
    out = out + lax.dot_general(x_ref[...], wr_ref[...], dn,
                                precision=lax.Precision.HIGHEST,
                                preferred_element_type=jnp.float32)
    if relu:
        out = jnp.maximum(out, 0.0)
    o_ref[...] = out
    if obf_ref is not None:
        obf_ref[...] = out.astype(jnp.bfloat16)


def _tc_layer(aggp, degp_t, x, wl, bl, wr, relu, emit_bf16=False):
    blk = 1024
    grid = (N_PAD // blk,)
    return pl.pallas_call(
        functools.partial(_tc_layer_body, relu=relu),
        grid=grid,
        in_specs=[
            pl.BlockSpec((NC, blk, D), lambda i: (0, i, 0)),
            pl.BlockSpec((blk, NW), lambda i: (i, 0)),
            pl.BlockSpec((blk, D), lambda i: (i, 0)),
            pl.BlockSpec((D, D), lambda i: (0, 0)),
            pl.BlockSpec((1, D), lambda i: (0, 0)),
            pl.BlockSpec((D, D), lambda i: (0, 0)),
        ],
        out_specs=[pl.BlockSpec((blk, D), lambda i: (i, 0))] * (2 if emit_bf16 else 1),
        out_shape=(
            [jax.ShapeDtypeStruct((N_PAD, D), jnp.float32),
             jax.ShapeDtypeStruct((N_PAD, D), jnp.bfloat16)]
            if emit_bf16 else
            [jax.ShapeDtypeStruct((N_PAD, D), jnp.float32)]
        ),
    )(aggp, degp_t, x, wl, bl, wr)


def kernel(x, edge_index, W1l, b1l, W1r, W2l, b2l, W2r):
    src = edge_index[0].reshape(NW, NSB, SB, CH)
    dst = edge_index[1].reshape(NW, NSB, SB, CH)
    x_pad = jnp.pad(x, ((0, N_PAD - N_NODES), (0, 0)))

    aggp1, degp = _sc_aggregate(src, dst, x_pad.astype(jnp.bfloat16))
    degp_t = degp.reshape(NW, N_PAD).T
    h, h_bf = _tc_layer(aggp1, degp_t, x_pad, W1l, b1l.reshape(1, D), W1r,
                        relu=True, emit_bf16=True)
    aggp2, _ = _sc_aggregate(src, dst, h_bf)
    out, = _tc_layer(aggp2, degp_t, h, W2l, b2l.reshape(1, D), W2r, relu=False)
    return out[:N_NODES]

# --- scband reference (transcript-rebuilt; emitter-appended) ---
"""Pipeline reference for scband-graph-sage-58969900974302 (READ-ONLY COPY).

The authoritative reference and input builder live on the scoring server;
editing this copy changes nothing except your own understanding.
"""

import jax, jax.numpy as jnp
import numpy as np

N_NODES = 10000
N_EDGES = 320000
D_IN = 128
D_HID = 128
D_OUT = 128


def setup_inputs(seed: int = 0) -> dict:
    key = jax.random.key(seed)
    ks = jax.random.split(key, 8)
    x = jax.random.normal(ks[0], (N_NODES, D_IN), dtype=jnp.float32)
    edge_index = jax.random.randint(ks[1], (2, N_EDGES), 0, N_NODES, dtype=jnp.int64 if jax.config.jax_enable_x64 else jnp.int32).astype(jnp.int32)
    # SAGEConv layer 1: lin_l (neighbor path, with bias), lin_r (self path)
    W1l = jax.random.normal(ks[2], (D_HID, D_IN), dtype=jnp.float32) * (1.0 / np.sqrt(D_IN))
    b1l = jnp.zeros((D_HID,), dtype=jnp.float32)
    W1r = jax.random.normal(ks[3], (D_HID, D_IN), dtype=jnp.float32) * (1.0 / np.sqrt(D_IN))
    # SAGEConv layer 2
    W2l = jax.random.normal(ks[4], (D_OUT, D_HID), dtype=jnp.float32) * (1.0 / np.sqrt(D_HID))
    b2l = jnp.zeros((D_OUT,), dtype=jnp.float32)
    W2r = jax.random.normal(ks[5], (D_OUT, D_HID), dtype=jnp.float32) * (1.0 / np.sqrt(D_HID))
    return {"x": x, "edge_index": edge_index, "W1l": W1l, "b1l": b1l, "W1r": W1r, "W2l": W2l, "b2l": b2l, "W2r": W2r}


def _sage_conv(x, edge_index, Wl, bl, Wr):
    src = edge_index[0]
    dst = edge_index[1]
    n = x.shape[0]
    # gather messages from source nodes
    msgs = jnp.take(x, src, axis=0)
    # mean aggregation onto destination nodes (scatter-add + degree normalize)
    agg = jax.ops.segment_sum(msgs, dst, num_segments=n)
    deg = jax.ops.segment_sum(jnp.ones((src.shape[0],), dtype=x.dtype), dst, num_segments=n)
    mean = agg / jnp.clip(deg, 1.0)[:, None]
    return mean @ Wl.T + bl + x @ Wr.T


def reference(x, edge_index, W1l, b1l, W1r, W2l, b2l, W2r):
    h = _sage_conv(x, edge_index, W1l, b1l, W1r)
    h = jax.nn.relu(h)
    out = _sage_conv(h, edge_index, W2l, b2l, W2r)
    return out

if __name__ == "__main__":
    import jax
    _d = setup_inputs()
    print(jax.jit(kernel)(*tuple(_d.values())))

</pallas_src>

<mosaic_0001>
#map = affine_map<(d0, d1) -> (0, 0, 0, 0)>
#map1 = affine_map<(d0, d1) -> (0, 0)>
#map2 = affine_map<(d0, d1) -> (0, 0, 0)>
#map3 = affine_map<(d0, d1) -> (0)>
module attributes {stable_mosaic.version = 14 : i64} {
  func.func @_sc_aggregate(%arg0: i32, %arg1: i32, %arg2: memref<32x5x25x80xi32, #tpu.memory_space<hbm>>, %arg3: memref<32x5x25x80xi32, #tpu.memory_space<hbm>>, %arg4: memref<10240x128xbf16, #tpu.memory_space<hbm>>, %arg5: memref<2x10240x128xbf16, #tpu.memory_space<hbm>>, %arg6: memref<327680xf32, #tpu.memory_space<hbm>>, %arg7: memref<25x80xi32, #tpu.memory_space<vmem>>, %arg8: memref<25x80xi32, #tpu.memory_space<vmem>>, %arg9: memref<80x128xbf16, #tpu.memory_space<vmem>>, %arg10: memref<80x128xbf16, #tpu.memory_space<vmem>>, %arg11: memref<80x128xbf16, #tpu.memory_space<vmem>>, %arg12: memref<80x128xbf16, #tpu.memory_space<vmem>>, %arg13: memref<10240xf32, #tpu.memory_space<vmem>>, %arg14: memref<64x128xbf16, #tpu.memory_space<vmem>>, %arg15: memref<10240x128xbf16, #tpu.memory_space<vmem_shared>>, %arg16: memref<10240x128xbf16, #tpu.memory_space<vmem_shared>>, %arg17: memref<!tpu.dma_semaphore, #tpu.memory_space<semaphore_mem>>, %arg18: memref<!tpu.dma_semaphore, #tpu.memory_space<semaphore_mem>>, %arg19: memref<!tpu.dma_semaphore, #tpu.memory_space<semaphore_mem>>, %arg20: memref<!tpu.dma_semaphore, #tpu.memory_space<semaphore_mem>>, %arg21: memref<!tpu.dma_semaphore, #tpu.memory_space<semaphore_mem>>, %arg22: memref<!tpu.dma_semaphore, #tpu.memory_space<semaphore_mem>>, %arg23: memref<!tpu.dma_semaphore, #tpu.memory_space<semaphore_mem>>, %arg24: memref<!tpu.dma_semaphore, #tpu.memory_space<semaphore_mem>>) attributes {dimension_semantics = [#tpu.dimension_semantics<core_parallel>, #tpu.dimension_semantics<subcore_parallel>], iteration_bounds = array<i64: 2, 16>, scalar_prefetch = 0 : i64, scratch_operands = 18 : i64, tpu.core_type = #tpu.core_type<sc_vector_subcore>, window_params = [{transform_indices = #map}, {transform_indices = #map}, {transform_indices = #map1}, {transform_indices = #map2}, {transform_indices = #map3}]} {
    %mul3A = arith.constant 2 : i32
    %mul3A_0 = arith.muli %arg1, %mul3A : i32
    %add3A = arith.addi %mul3A_0, %arg0 : i32
    %mul3A_1 = arith.constant 10240 : i32
    %mul3A_2 = arith.muli %add3A, %mul3A_1 : i32
    "tpu.region"() ({
      %run_scoped3A = tpu.sem_alloc : memref<!tpu.dma_semaphore, #tpu.memory_space<semaphore_mem>>
      %dma_start3A = tpu.memref_slice %arg6[%mul3A_2] : memref<327680xf32, #tpu.memory_space<hbm>> -> memref<10240xf32, #tpu.memory_space<hbm>>
      %dma_start3A_3 = tpu.memref_slice %arg6[%mul3A_2] : memref<327680xf32, #tpu.memory_space<hbm>> -> memref<10240xf32, #tpu.memory_space<hbm>>
      tpu.enqueue_dma source(%arg13 : memref<10240xf32, #tpu.memory_space<vmem>>) target(%dma_start3A_3 : memref<10240xf32, #tpu.memory_space<hbm>>) target_semaphore(%run_scoped3A : memref<!tpu.dma_semaphore, #tpu.memory_space<semaphore_mem>>)
      %dma_wait3A = tpu.memref_slice %arg6[%mul3A_2] : memref<327680xf32, #tpu.memory_space<hbm>> -> memref<10240xf32, #tpu.memory_space<hbm>>
      %dma_wait3A_4 = tpu.memref_slice %arg6[%mul3A_2] : memref<327680xf32, #tpu.memory_space<hbm>> -> memref<10240xf32, #tpu.memory_space<hbm>>
      tpu.wait_dma2 semaphore(%run_scoped3A : memref<!tpu.dma_semaphore, #tpu.memory_space<semaphore_mem>>) src(%arg13 : memref<10240xf32, #tpu.memory_space<vmem>>) dst(%dma_wait3A_4 : memref<10240xf32, #tpu.memory_space<hbm>>)
      tpu.yield
    }) : () -> ()
    return
  }
}

#map = affine_map<(d0, d1) -> (0, 0, 0, 0)>
#map1 = affine_map<(d0, d1) -> (0, 0)>
#map2 = affine_map<(d0, d1) -> (0, 0, 0)>
#map3 = affine_map<(d0, d1) -> (0)>
module attributes {stable_mosaic.version = 14 : i64} {
  func.func @_sc_aggregate(%arg0: i32, %arg1: i32, %arg2: memref<32x5x25x80xi32, #tpu.memory_space<hbm>>, %arg3: memref<32x5x25x80xi32, #tpu.memory_space<hbm>>, %arg4: memref<10240x128xbf16, #tpu.memory_space<hbm>>, %arg5: memref<2x10240x128xbf16, #tpu.memory_space<hbm>>, %arg6: memref<327680xf32, #tpu.memory_space<hbm>>, %arg7: memref<25x80xi32, #tpu.memory_space<vmem>>, %arg8: memref<25x80xi32, #tpu.memory_space<vmem>>, %arg9: memref<80x128xbf16, #tpu.memory_space<vmem>>, %arg10: memref<80x128xbf16, #tpu.memory_space<vmem>>, %arg11: memref<80x128xbf16, #tpu.memory_space<vmem>>, %arg12: memref<80x128xbf16, #tpu.memory_space<vmem>>, %arg13: memref<10240xf32, #tpu.memory_space<vmem>>, %arg14: memref<64x128xbf16, #tpu.memory_space<vmem>>, %arg15: memref<10240x128xbf16, #tpu.memory_space<vmem_shared>>, %arg16: memref<10240x128xbf16, #tpu.memory_space<vmem_shared>>, %arg17: memref<!tpu.dma_semaphore, #tpu.memory_space<semaphore_mem>>, %arg18: memref<!tpu.dma_semaphore, #tpu.memory_space<semaphore_mem>>, %arg19: memref<!tpu.dma_semaphore, #tpu.memory_space<semaphore_mem>>, %arg20: memref<!tpu.dma_semaphore, #tpu.memory_space<semaphore_mem>>, %arg21: memref<!tpu.dma_semaphore, #tpu.memory_space<semaphore_mem>>, %arg22: memref<!tpu.dma_semaphore, #tpu.memory_space<semaphore_mem>>, %arg23: memref<!tpu.dma_semaphore, #tpu.memory_space<semaphore_mem>>, %arg24: memref<!tpu.dma_semaphore, #tpu.memory_space<semaphore_mem>>) attributes {dimension_semantics = [#tpu.dimension_semantics<core_parallel>, #tpu.dimension_semantics<subcore_parallel>], iteration_bounds = array<i64: 2, 16>, scalar_prefetch = 0 : i64, scratch_operands = 18 : i64, tpu.core_type = #tpu.core_type<sc_vector_subcore>, window_params = [{transform_indices = #map}, {transform_indices = #map}, {transform_indices = #map1}, {transform_indices = #map2}, {transform_indices = #map3}]} {
    %mul3A = arith.constant 2 : i32
    %mul3A_0 = arith.muli %arg1, %mul3A : i32
    %add3A = arith.addi %mul3A_0, %arg0 : i32
    %mul3A_1 = arith.constant 10240 : i32
    %mul3A_2 = arith.muli %add3A, %mul3A_1 : i32
    "tpu.region"() ({
      %run_scoped3A = tpu.sem_alloc : memref<!tpu.dma_semaphore, #tpu.memory_space<semaphore_mem>>
      %dma_start3A = tpu.memref_slice %arg6[%mul3A_2] : memref<327680xf32, #tpu.memory_space<hbm>> -> memref<10240xf32, #tpu.memory_space<hbm>>
      %dma_start3A_3 = tpu.memref_slice %arg6[%mul3A_2] : memref<327680xf32, #tpu.memory_space<hbm>> -> memref<10240xf32, #tpu.memory_space<hbm>>
      tpu.enqueue_dma source(%arg13 : memref<10240xf32, #tpu.memory_space<vmem>>) target(%dma_start3A_3 : memref<10240xf32, #tpu.memory_space<hbm>>) target_semaphore(%run_scoped3A : memref<!tpu.dma_semaphore, #tpu.memory_space<semaphore_mem>>)
      %dma_wait3A = tpu.memref_slice %arg6[%mul3A_2] : memref<327680xf32, #tpu.memory_space<hbm>> -> memref<10240xf32, #tpu.memory_space<hbm>>
      %dma_wait3A_4 = tpu.memref_slice %arg6[%mul3A_2] : memref<327680xf32, #tpu.memory_space<hbm>> -> memref<10240xf32, #tpu.memory_space<hbm>>
      tpu.wait_dma2 semaphore(%run_scoped3A : memref<!tpu.dma_semaphore, #tpu.memory_space<semaphore_mem>>) src(%arg13 : memref<10240xf32, #tpu.memory_space<vmem>>) dst(%dma_wait3A_4 : memref<10240xf32, #tpu.memory_space<hbm>>)
      tpu.yield
    }) : () -> ()
    return
  }
}

module attributes {stable_mosaic.version = 14 : i64} {
  func.func @_tc_layer_body(%arg0: i32, %arg1: memref<2x1024x128xbf16, #tpu.memory_space<vmem>>, %arg2: memref<1024x32xf32, #tpu.memory_space<vmem>>, %arg3: memref<1024x128xf32, #tpu.memory_space<vmem>>, %arg4: memref<128x128xf32, #tpu.memory_space<vmem>>, %arg5: memref<1x128xf32, #tpu.memory_space<vmem>>, %arg6: memref<128x128xf32, #tpu.memory_space<vmem>>, %arg7: memref<1024x128xf32, #tpu.memory_space<vmem>>, %arg8: memref<1024x128xbf16, #tpu.memory_space<vmem>>) attributes {dimension_semantics = [#tpu.dimension_semantics<arbitrary>], iteration_bounds = array<i64: 10>, scalar_prefetch = 0 : i64, scratch_operands = 0 : i64, tpu.core_type = #tpu.core_type<tc>, window_params = [{transform_indices = @transform_0, window_bounds = array<i64: 2, 1024, 128>}, {transform_indices = @transform_1, window_bounds = array<i64: 1024, 32>}, {transform_indices = @transform_2, window_bounds = array<i64: 1024, 128>}, {pipeline_mode = #tpu.pipeline_mode<synchronous>, transform_indices = @transform_3, window_bounds = array<i64: 128, 128>}, {pipeline_mode = #tpu.pipeline_mode<synchronous>, transform_indices = @transform_4, window_bounds = array<i64: 1, 128>}, {pipeline_mode = #tpu.pipeline_mode<synchronous>, transform_indices = @transform_5, window_bounds = array<i64: 128, 128>}, {transform_indices = @transform_6, window_bounds = array<i64: 1024, 128>}, {transform_indices = @transform_7, window_bounds = array<i64: 1024, 128>}]} {
    %get3A = arith.constant 0 : index
    %get3A_0 = arith.constant 0 : index
    %get3A_1 = arith.constant 0 : index
    %get3A_2 = vector.load %arg1[%get3A, %get3A_0, %get3A_1] : memref<2x1024x128xbf16, #tpu.memory_space<vmem>>, vector<1x1024x128xbf16>
    %get3A_3 = vector.shape_cast %get3A_2 : vector<1x1024x128xbf16> to vector<1024x128xbf16>
    %convert_element_type3A = arith.extf %get3A_3 : vector<1024x128xbf16> to vector<1024x128xf32>
    %get3A_4 = arith.constant 1 : index
    %get3A_5 = arith.constant 0 : index
    %get3A_6 = arith.constant 0 : index
    %get3A_7 = vector.load %arg1[%get3A_4, %get3A_5, %get3A_6] : memref<2x1024x128xbf16, #tpu.memory_space<vmem>>, vector<1x1024x128xbf16>
    %get3A_8 = vector.shape_cast %get3A_7 : vector<1x1024x128xbf16> to vector<1024x128xbf16>
    %convert_element_type3A_9 = arith.extf %get3A_8 : vector<1024x128xbf16> to vector<1024x128xf32>
    %add3A = arith.addf %convert_element_type3A, %convert_element_type3A_9 : vector<1024x128xf32>
    %get3A_10 = arith.constant 0 : index
    %get3A_11 = arith.constant 0 : index
    %get3A_12 = vector.load %arg2[%get3A_10, %get3A_11] : memref<1024x32xf32, #tpu.memory_space<vmem>>, vector<1024x32xf32>
    %reduce_sum3A = arith.constant dense<0.000000e+00> : vector<1024xf32>
    %reduce_sum3A_13 = vector.multi_reduction <add>, %get3A_12, %reduce_sum3A [1] : vector<1024x32xf32> to vector<1024xf32>
    %max3A = arith.constant 1.000000e+00 : f32
    %max3A_14 = vector.broadcast %max3A : f32 to vector<1024xf32>
    %max3A_15 = arith.maximumf %reduce_sum3A_13, %max3A_14 : vector<1024xf32>
    %broadcast_in_dim3A = vector.shape_cast %max3A_15 : vector<1024xf32> to vector<1024x1xf32>
    %div3A = vector.broadcast %broadcast_in_dim3A : vector<1024x1xf32> to vector<1024x128xf32>
    %div3A_16 = arith.divf %add3A, %div3A : vector<1024x128xf32>
    %get3A_17 = arith.constant 0 : index
    %get3A_18 = arith.constant 0 : index
    %get3A_19 = vector.load %arg4[%get3A_17, %get3A_18] : memref<128x128xf32, #tpu.memory_space<vmem>>, vector<128x128xf32>
    %dot_general3A = arith.constant dense<0.000000e+00> : vector<1024x128xf32>
    %dot_general3A_20 = tpu.matmul %div3A_16, %get3A_19, %dot_general3A {dimension_numbers = #tpu.dot_dimension_numbers<[1], [1], [0], [0], [0, 0, 1, 0], [], []>, precision = #tpu.contract_precision<fp32>, transpose_lhs_hint = false} : vector<1024x128xf32>, vector<128x128xf32>, vector<1024x128xf32> -> vector<1024x128xf32>
    %get3A_21 = arith.constant 0 : index
    %get3A_22 = arith.constant 0 : index
    %get3A_23 = vector.load %arg5[%get3A_21, %get3A_22] : memref<1x128xf32, #tpu.memory_space<vmem>>, vector<1x128xf32>
    %add3A_24 = vector.broadcast %get3A_23 : vector<1x128xf32> to vector<1024x128xf32>
    %add3A_25 = arith.addf %dot_general3A_20, %add3A_24 : vector<1024x128xf32>
    %get3A_26 = arith.constant 0 : index
    %get3A_27 = arith.constant 0 : index
    %get3A_28 = vector.load %arg3[%get3A_26, %get3A_27] : memref<1024x128xf32, #tpu.memory_space<vmem>>, vector<1024x128xf32>
    %get3A_29 = arith.constant 0 : index
    %get3A_30 = arith.constant 0 : index
    %get3A_31 = vector.load %arg6[%get3A_29, %get3A_30] : memref<128x128xf32, #tpu.memory_space<vmem>>, vector<128x128xf32>
    %dot_general3A_32 = arith.constant dense<0.000000e+00> : vector<1024x128xf32>
    %dot_general3A_33 = tpu.matmul %get3A_28, %get3A_31, %dot_general3A_32 {dimension_numbers = #tpu.dot_dimension_numbers<[1], [1], [0], [0], [0, 0, 1, 0], [], []>, precision = #tpu.contract_precision<fp32>, transpose_lhs_hint = false} : vector<1024x128xf32>, vector<128x128xf32>, vector<1024x128xf32> -> vector<1024x128xf32>
    %add3A_34 = arith.addf %add3A_25, %dot_general3A_33 : vector<1024x128xf32>
    %max3A_35 = arith.constant 0.000000e+00 : f32
    %max3A_36 = vector.broadcast %max3A_35 : f32 to vector<1024x128xf32>
    %max3A_37 = arith.maximumf %add3A_34, %max3A_36 : vector<1024x128xf32>
    %swap3A = arith.constant 0 : index
    %swap3A_38 = arith.constant 0 : index
    %swap3A_39 = vector.load %arg7[%swap3A, %swap3A_38] : memref<1024x128xf32, #tpu.memory_space<vmem>>, vector<1024x128xf32>
    tpu.vector_store %arg7[%swap3A, %swap3A_38], %max3A_37 {strides = array<i32>} : memref<1024x128xf32, #tpu.memory_space<vmem>>, vector<1024x128xf32>,
    %convert_element_type3A_40 = arith.truncf %max3A_37 : vector<1024x128xf32> to vector<1024x128xbf16>
    %swap3A_41 = arith.constant 0 : index
    %swap3A_42 = arith.constant 0 : index
    %swap3A_43 = vector.load %arg8[%swap3A_41, %swap3A_42] : memref<1024x128xbf16, #tpu.memory_space<vmem>>, vector<1024x128xbf16>
    tpu.vector_store %arg8[%swap3A_41, %swap3A_42], %convert_element_type3A_40 {strides = array<i32>} : memref<1024x128xbf16, #tpu.memory_space<vmem>>, vector<1024x128xbf16>,
    return
  }
  func.func @transform_0(%arg0: i32) -> (i32, i32, i32) {
    %c0_i32 = arith.constant 0 : i32
    %c0_i32_0 = arith.constant 0 : i32
    %c0_i32_1 = arith.constant 0 : i32
    return %c0_i32, %arg0, %c0_i32_0 : i32, i32, i32
  }
  func.func @transform_1(%arg0: i32) -> (i32, i32) {
    %c0_i32 = arith.constant 0 : i32
    %c0_i32_0 = arith.constant 0 : i32
    return %arg0, %c0_i32 : i32, i32
  }
  func.func @transform_2(%arg0: i32) -> (i32, i32) {
    %c0_i32 = arith.constant 0 : i32
    %c0_i32_0 = arith.constant 0 : i32
    return %arg0, %c0_i32 : i32, i32
  }
  func.func @transform_3(%arg0: i32) -> (i32, i32) {
    %c0_i32 = arith.constant 0 : i32
    %c0_i32_0 = arith.constant 0 : i32
    %c0_i32_1 = arith.constant 0 : i32
    return %c0_i32, %c0_i32_0 : i32, i32
  }
  func.func @transform_4(%arg0: i32) -> (i32, i32) {
    %c0_i32 = arith.constant 0 : i32
    %c0_i32_0 = arith.constant 0 : i32
    %c0_i32_1 = arith.constant 0 : i32
    return %c0_i32, %c0_i32_0 : i32, i32
  }
  func.func @transform_5(%arg0: i32) -> (i32, i32) {
    %c0_i32 = arith.constant 0 : i32
    %c0_i32_0 = arith.constant 0 : i32
    %c0_i32_1 = arith.constant 0 : i32
    return %c0_i32, %c0_i32_0 : i32, i32
  }
  func.func @transform_6(%arg0: i32) -> (i32, i32) {
    %c0_i32 = arith.constant 0 : i32
    %c0_i32_0 = arith.constant 0 : i32
    return %arg0, %c0_i32 : i32, i32
  }
  func.func @transform_7(%arg0: i32) -> (i32, i32) {
    %c0_i32 = arith.constant 0 : i32
    %c0_i32_0 = arith.constant 0 : i32
    return %arg0, %c0_i32 : i32, i32
  }
}

module attributes {stable_mosaic.version = 14 : i64} {
  func.func @_tc_layer_body(%arg0: i32, %arg1: memref<2x1024x128xbf16, #tpu.memory_space<vmem>>, %arg2: memref<1024x32xf32, #tpu.memory_space<vmem>>, %arg3: memref<1024x128xf32, #tpu.memory_space<vmem>>, %arg4: memref<128x128xf32, #tpu.memory_space<vmem>>, %arg5: memref<1x128xf32, #tpu.memory_space<vmem>>, %arg6: memref<128x128xf32, #tpu.memory_space<vmem>>, %arg7: memref<1024x128xf32, #tpu.memory_space<vmem>>) attributes {dimension_semantics = [#tpu.dimension_semantics<arbitrary>], iteration_bounds = array<i64: 10>, scalar_prefetch = 0 : i64, scratch_operands = 0 : i64, tpu.core_type = #tpu.core_type<tc>, window_params = [{transform_indices = @transform_0, window_bounds = array<i64: 2, 1024, 128>}, {transform_indices = @transform_1, window_bounds = array<i64: 1024, 32>}, {transform_indices = @transform_2, window_bounds = array<i64: 1024, 128>}, {pipeline_mode = #tpu.pipeline_mode<synchronous>, transform_indices = @transform_3, window_bounds = array<i64: 128, 128>}, {pipeline_mode = #tpu.pipeline_mode<synchronous>, transform_indices = @transform_4, window_bounds = array<i64: 1, 128>}, {pipeline_mode = #tpu.pipeline_mode<synchronous>, transform_indices = @transform_5, window_bounds = array<i64: 128, 128>}, {transform_indices = @transform_6, window_bounds = array<i64: 1024, 128>}]} {
    %get3A = arith.constant 0 : index
    %get3A_0 = arith.constant 0 : index
    %get3A_1 = arith.constant 0 : index
    %get3A_2 = vector.load %arg1[%get3A, %get3A_0, %get3A_1] : memref<2x1024x128xbf16, #tpu.memory_space<vmem>>, vector<1x1024x128xbf16>
    %get3A_3 = vector.shape_cast %get3A_2 : vector<1x1024x128xbf16> to vector<1024x128xbf16>
    %convert_element_type3A = arith.extf %get3A_3 : vector<1024x128xbf16> to vector<1024x128xf32>
    %get3A_4 = arith.constant 1 : index
    %get3A_5 = arith.constant 0 : index
    %get3A_6 = arith.constant 0 : index
    %get3A_7 = vector.load %arg1[%get3A_4, %get3A_5, %get3A_6] : memref<2x1024x128xbf16, #tpu.memory_space<vmem>>, vector<1x1024x128xbf16>
    %get3A_8 = vector.shape_cast %get3A_7 : vector<1x1024x128xbf16> to vector<1024x128xbf16>
    %convert_element_type3A_9 = arith.extf %get3A_8 : vector<1024x128xbf16> to vector<1024x128xf32>
    %add3A = arith.addf %convert_element_type3A, %convert_element_type3A_9 : vector<1024x128xf32>
    %get3A_10 = arith.constant 0 : index
    %get3A_11 = arith.constant 0 : index
    %get3A_12 = vector.load %arg2[%get3A_10, %get3A_11] : memref<1024x32xf32, #tpu.memory_space<vmem>>, vector<1024x32xf32>
    %reduce_sum3A = arith.constant dense<0.000000e+00> : vector<1024xf32>
    %reduce_sum3A_13 = vector.multi_reduction <add>, %get3A_12, %reduce_sum3A [1] : vector<1024x32xf32> to vector<1024xf32>
    %max3A = arith.constant 1.000000e+00 : f32
    %max3A_14 = vector.broadcast %max3A : f32 to vector<1024xf32>
    %max3A_15 = arith.maximumf %reduce_sum3A_13, %max3A_14 : vector<1024xf32>
    %broadcast_in_dim3A = vector.shape_cast %max3A_15 : vector<1024xf32> to vector<1024x1xf32>
    %div3A = vector.broadcast %broadcast_in_dim3A : vector<1024x1xf32> to vector<1024x128xf32>
    %div3A_16 = arith.divf %add3A, %div3A : vector<1024x128xf32>
    %get3A_17 = arith.constant 0 : index
    %get3A_18 = arith.constant 0 : index
    %get3A_19 = vector.load %arg4[%get3A_17, %get3A_18] : memref<128x128xf32, #tpu.memory_space<vmem>>, vector<128x128xf32>
    %dot_general3A = arith.constant dense<0.000000e+00> : vector<1024x128xf32>
    %dot_general3A_20 = tpu.matmul %div3A_16, %get3A_19, %dot_general3A {dimension_numbers = #tpu.dot_dimension_numbers<[1], [1], [0], [0], [0, 0, 1, 0], [], []>, precision = #tpu.contract_precision<fp32>, transpose_lhs_hint = false} : vector<1024x128xf32>, vector<128x128xf32>, vector<1024x128xf32> -> vector<1024x128xf32>
    %get3A_21 = arith.constant 0 : index
    %get3A_22 = arith.constant 0 : index
    %get3A_23 = vector.load %arg5[%get3A_21, %get3A_22] : memref<1x128xf32, #tpu.memory_space<vmem>>, vector<1x128xf32>
    %add3A_24 = vector.broadcast %get3A_23 : vector<1x128xf32> to vector<1024x128xf32>
    %add3A_25 = arith.addf %dot_general3A_20, %add3A_24 : vector<1024x128xf32>
    %get3A_26 = arith.constant 0 : index
    %get3A_27 = arith.constant 0 : index
    %get3A_28 = vector.load %arg3[%get3A_26, %get3A_27] : memref<1024x128xf32, #tpu.memory_space<vmem>>, vector<1024x128xf32>
    %get3A_29 = arith.constant 0 : index
    %get3A_30 = arith.constant 0 : index
    %get3A_31 = vector.load %arg6[%get3A_29, %get3A_30] : memref<128x128xf32, #tpu.memory_space<vmem>>, vector<128x128xf32>
    %dot_general3A_32 = arith.constant dense<0.000000e+00> : vector<1024x128xf32>
    %dot_general3A_33 = tpu.matmul %get3A_28, %get3A_31, %dot_general3A_32 {dimension_numbers = #tpu.dot_dimension_numbers<[1], [1], [0], [0], [0, 0, 1, 0], [], []>, precision = #tpu.contract_precision<fp32>, transpose_lhs_hint = false} : vector<1024x128xf32>, vector<128x128xf32>, vector<1024x128xf32> -> vector<1024x128xf32>
    %add3A_34 = arith.addf %add3A_25, %dot_general3A_33 : vector<1024x128xf32>
    %swap3A = arith.constant 0 : index
    %swap3A_35 = arith.constant 0 : index
    %swap3A_36 = vector.load %arg7[%swap3A, %swap3A_35] : memref<1024x128xf32, #tpu.memory_space<vmem>>, vector<1024x128xf32>
    tpu.vector_store %arg7[%swap3A, %swap3A_35], %add3A_34 {strides = array<i32>} : memref<1024x128xf32, #tpu.memory_space<vmem>>, vector<1024x128xf32>,
    return
  }
  func.func @transform_0(%arg0: i32) -> (i32, i32, i32) {
    %c0_i32 = arith.constant 0 : i32
    %c0_i32_0 = arith.constant 0 : i32
    %c0_i32_1 = arith.constant 0 : i32
    return %c0_i32, %arg0, %c0_i32_0 : i32, i32, i32
  }
  func.func @transform_1(%arg0: i32) -> (i32, i32) {
    %c0_i32 = arith.constant 0 : i32
    %c0_i32_0 = arith.constant 0 : i32
    return %arg0, %c0_i32 : i32, i32
  }
  func.func @transform_2(%arg0: i32) -> (i32, i32) {
    %c0_i32 = arith.constant 0 : i32
    %c0_i32_0 = arith.constant 0 : i32
    return %arg0, %c0_i32 : i32, i32
  }
  func.func @transform_3(%arg0: i32) -> (i32, i32) {
    %c0_i32 = arith.constant 0 : i32
    %c0_i32_0 = arith.constant 0 : i32
    %c0_i32_1 = arith.constant 0 : i32
    return %c0_i32, %c0_i32_0 : i32, i32
  }
  func.func @transform_4(%arg0: i32) -> (i32, i32) {
    %c0_i32 = arith.constant 0 : i32
    %c0_i32_0 = arith.constant 0 : i32
    %c0_i32_1 = arith.constant 0 : i32
    return %c0_i32, %c0_i32_0 : i32, i32
  }
  func.func @transform_5(%arg0: i32) -> (i32, i32) {
    %c0_i32 = arith.constant 0 : i32
    %c0_i32_0 = arith.constant 0 : i32
    %c0_i32_1 = arith.constant 0 : i32
    return %c0_i32, %c0_i32_0 : i32, i32
  }
  func.func @transform_6(%arg0: i32) -> (i32, i32) {
    %c0_i32 = arith.constant 0 : i32
    %c0_i32_0 = arith.constant 0 : i32
    return %arg0, %c0_i32 : i32, i32
  }
}

</mosaic_0001>

<sc_bundles>
// kernel: kernel.6.cloned.1.call-start
scs
__scs_entry_jumppad:
0x0: {  	(pc) =	sbr.rel $0x88, $3  }
0x1: {  	(tag) =	ssettag $0x0;
	lr =	simm.s32 $0x1  }
0x2: {  	[smem:$0x3F99] =	sst lr;
	_ =	strace $0xD0000000  }
0x3: {  	_ = 	snop  }
0x4: {  	_ = 	snop  }
0x5: {  	_ = 	snop  }
0x6: {  	_ = 	snop  }
0x7: {  	_ = 	snop  }
__scs_overlays_trampoline_lowered:
0x8: {  	[smem:$0x3FA8] =	sst s0  }
0x9: {  	[smem:$0x3FA9] =	sst s1  }
0xa: {  	[smem:$0x3FAA] =	sst s2  }
0xb: {  	[smem:$0x3FAB] =	sst s3  }
0xc: {  	[smem:$0x3FAC] =	sst s4  }
0xd: {  	[smem:$0x3FAD] =	sst s5  }
0xe: {  	[smem:$0x3FAE] =	sst s6  }
0xf: {  	[smem:$0x3FAF] =	sst s7  }
0x10: {  	[smem:$0x3FB0] =	sst s8  }
0x11: {  	[smem:$0x3FB1] =	sst s9;
	s0 =	simm.s32 @!p0 $0x0  }
0x12: {  	s1 =	sld [smem:$0x3F97];
	s0 =	simm.s32 @p0 $0x1  }
0x13: {  	[smem:$0x3FB2] =	sst s0;
	s0 =	simm.s32 @!p1 $0x0  }
0x14: {  	s2 =	sld [smem:$0x3F96];
	s0 =	simm.s32 @p1 $0x1  }
0x15: {  	[smem:$0x3FB3] =	sst s0;
	s0 =	simm.s32 @!p2 $0x0  }
0x16: {  	s3 =	sld [smem:$0x3FDB];
	s0 =	simm.s32 @p2 $0x1  }
0x17: {  	s4 =	simm.s32 $0x1BF5;
	[smem:$0x3FB5] =	sst s0  }
0x18: {  	s0 =	sld [smem:$0x3F98];
	_ =	swait.ge [sflag:s4], $0x0  }
0x19: {  	s7 =	sld [smem:$0x3F99]  }
0x1a: {  	s8 =	sadd.s32 $0xFFFFE003, lr  }
0x1b: {  	s9 =	sadd.s32 $0xFFFFFEF7, lr;
	s5 =	simm.s32 $0xFFFFFFFF;
	p2 =	slt.u32 s8, $0xFFFFF086  }
0x1c: {  	p1 =	slt.u32 s9, $0xF7A;
	s5 =	simm.s32 @!p2 $0x0  }
0x1d: {  	s5 =	simm.s32 @p1 $0x1;
	p0 =	seq.s32 s7, s2  }
0x1e: {  	s7 =	smul.u32 @!p0 $0xF7A, s2;
	p2 =	seq.s32 @!p0 s5, $0x0  }
0x1f: {  	s9 =	smul.u32 $0xF7A, s1;
	s8 =	simm.s32 @!p0 $0x1BF5;
	p2 =	por !p2, p0  }
0x20: {  	[sflag:s8] =	ssyncset.s32 @!p0 $0xFFFFF086;
	s6 =	sadd.s32 @!p0 s3, s7;
	s7 =	simm.s32 @!p0 $0x108  }
0x21: {  	s3 =	sadd.s32 s3, s9;
	s6 =	sadd.s32 @!p0 $0x88, s6;
	s7 =	simm.s32 @p2 $0x1082  }
0x22: {  	[simem:s7], [sflag:s8] =	dma.local @!p0 [hbm:s6], $0xF7A  }
0x23: {  	s9 =	sor.u32 $0xD0000000, s2;
	s6 =	simm.s32 $0x108;
	_ =	swait.ge @!p0 [sflag:s8], $0x0  }
0x24: {  	s3 =	sadd.s32 $0x88, s3;
	s6 =	simm.s32 @!p1 $0x1082;
	[sflag:s4] =	ssyncset.s32 $0xFFFFF086  }
0x25: {  	[simem:s6], [sflag:s4] =	dma.local [hbm:s3], $0xF7A  }
0x26: {  	[smem:$0x3F99] =	sst s1;
	(tag) =	ssettag s2;
	_ =	strace s9  }
0x27: {  	s1 =	sld [smem:$0x3FA9]  }
0x28: {  	s2 =	sld [smem:$0x3FAA]  }
0x29: {  	s4 =	sld [smem:$0x3FAC]  }
0x2a: {  	p0 =	seq.s32 s5, $0x0;
	s5 =	sld [smem:$0x3FAD]  }
0x2b: {  	s6 =	sld [smem:$0x3FAE]  }
0x2c: {  	s7 =	sld [smem:$0x3FAF]  }
0x2d: {  	s3 =	simm.s32 $0x108;
	s8 =	sld [smem:$0x3FB0]  }
0x2e: {  	s3 =	simm.s32 @!p0 $0x1082;
	s9 =	sld [smem:$0x3FB1]  }
0x2f: {  	lr =	sadd.s32 s0, s3;
	s0 =	sld [smem:$0x3FA8]  }
0x30: {  	s3 =	sld [smem:$0x3FAB]  }
0x31: {  	[smem:$0x3FB4] =	sst s10  }
0x32: {  	s10 =	sld [smem:$0x3FB2];
	_ =	sdelay $0x3  }
0x33: {  	p0 =	seq.s32 s10, $0x1;
	s10 =	sld [smem:$0x3FB4];
	_ =	sdelay $0x3  }
0x34: {  	[smem:$0x3FB4] =	sst s10  }
0x35: {  	s10 =	sld [smem:$0x3FB3];
	_ =	sdelay $0x3  }
0x36: {  	p1 =	seq.s32 s10, $0x1;
	s10 =	sld [smem:$0x3FB4];
	_ =	sdelay $0x3  }
0x37: {  	[smem:$0x3FB4] =	sst s10  }
0x38: {  	s10 =	sld [smem:$0x3FB5]  }
0x39: {  	_ = 	snop;
	(pc) =	sbr.ind lr, $3  }
0x3a: {  	_ = 	snop  }
0x3b: {  	_ = 	snop  }
0x3c: {  	p2 =	seq.s32 s10, $0x1;
	s10 =	sld [smem:$0x3FB4]  }
0x3d: {  	_ =	shalt  }
0x3e: {  	_ =	shalt  }
0x3f: {  	_ =	shalt  }
0x40: {  	_ =	shalt  }
0x41: {  	_ =	shalt  }
0x42: {  	_ =	shalt  }
0x43: {  	_ =	shalt  }
0x44: {  	_ =	shalt  }
0x45: {  	_ =	shalt  }
0x46: {  	_ =	shalt  }
0x47: {  	_ =	shalt  }
0x48: {  	_ =	shalt  }
0x49: {  	_ =	shalt  }
0x4a: {  	_ =	shalt  }
0x4b: {  	_ =	shalt  }
0x4c: {  	_ =	shalt  }
0x4d: {  	_ =	shalt  }
0x4e: {  	_ =	shalt  }
0x4f: {  	_ =	shalt  }
0x50: {  	_ =	shalt  }
0x51: {  	_ =	shalt  }
0x52: {  	_ =	shalt  }
0x53: {  	_ =	shalt  }
0x54: {  	_ =	shalt  }
0x55: {  	_ =	shalt  }
0x56: {  	_ =	shalt  }
0x57: {  	_ =	shalt  }
0x58: {  	_ =	shalt  }
0x59: {  	_ =	shalt  }
0x5a: {  	_ =	shalt  }
0x5b: {  	_ =	shalt  }
0x5c: {  	_ =	shalt  }
0x5d: {  	_ =	shalt  }
0x5e: {  	_ =	shalt  }
0x5f: {  	_ =	shalt  }
0x60: {  	_ =	shalt  }
0x61: {  	_ =	shalt  }
0x62: {  	_ =	shalt  }
0x63: {  	_ =	shalt  }
0x64: {  	_ =	shalt  }
0x65: {  	_ =	shalt  }
0x66: {  	_ =	shalt  }
0x67: {  	_ =	shalt  }
0x68: {  	_ =	shalt  }
0x69: {  	_ =	shalt  }
0x6a: {  	_ =	shalt  }
0x6b: {  	_ =	shalt  }
0x6c: {  	_ =	shalt  }
0x6d: {  	_ =	shalt  }
0x6e: {  	_ =	shalt  }
0x6f: {  	_ =	shalt  }
0x70: {  	_ =	shalt  }
0x71: {  	_ =	shalt  }
0x72: {  	_ =	shalt  }
0x73: {  	_ =	shalt  }
0x74: {  	_ =	shalt  }
0x75: {  	_ =	shalt  }
0x76: {  	_ =	shalt  }
0x77: {  	_ =	shalt  }
0x78: {  	_ =	shalt  }
0x79: {  	_ =	shalt  }
0x7a: {  	_ =	shalt  }
0x7b: {  	_ =	shalt  }
0x7c: {  	_ =	shalt  }
0x7d: {  	_ =	shalt  }
0x7e: {  	_ =	shalt  }
0x7f: {  	_ =	shalt  }
0x80: {  	_ =	shalt  }
0x81: {  	_ =	shalt  }
0x82: {  	_ =	shalt  }
0x83: {  	_ =	shalt  }
0x84: {  	_ =	shalt  }
0x85: {  	_ =	shalt  }
0x86: {  	_ =	shalt  }
0x87: {  	_ =	shalt  }
.Lfunc_end0:
.L_simem_size_0:
called_computation_lowered:
.L_overlay_start_0:
0x88: {  	s2 =	sld [smem:$0x3FD9]  }
0x89: {  	s3 =	sld [smem:$0x3FFE];
	_ =	sdelay $0x1  }
0x8a: {  	s1 =	srdreg.scid  }
0x8b: {  	s0 =	sand.u32 $0x1, s1  }
0x8c: {  	s16 =	sshll.u32 s0, $0xA;
	s2 =	sadd.s32 s3, s2  }
0x8d: {  	s2 =	sadd.s32 s2, s16  }
0x8e: {  	[smem:$0x3FC0] =	sst s2  }
0x8f: {  	_ = 	snop  }
0x90: {  	(tm) =	ssettm $0x1  }
0x91: {  	s17 =	sld [smem:$0x3FFB];
	_ =	sdelay $0x3  }
0x92: {  	_ =	strace s17  }
0x93: {  	s2 =	sld [smem:$0x3FFC];
	_ =	sdelay $0x3  }
0x94: {  	_ =	strace s2  }
0x95: {  	s2 =	sld [smem:$0x3FFD];
	_ =	sdelay $0x3  }
0x96: {  	_ =	strace s2  }
0x97: {  	_ =	strace $0x8FFFFFFF  }
0x98: {  	s18 =	sld [smem:$0x3FDB];
	_ =	sdelay $0x1  }
0x99: {  	s19 =	simm.s32 $_scs_section_size  }
0x9a: {  	s4 =	simm.s32 $_size__tile_overlayer_lowered;
	s5 =	simm.s32 $_tile_overlayer_lowered  }
0x9b: {  	s22 =	simm.s32 $0x1BFF;
	s21 =	sshll.u32 s5, $0x1;
	s2 =	sadd.s32 s19, s18  }
0x9c: {  	s6 =	simm.s32 $0x0;
	s20 =	sshll.u32 s4, $0x1;
	s4 =	sadd.s32 s21, s2  }
0x9d: {  	[timem:s6], [sflag:s22] =	dma.local [hbm:s4], s20  }
0x9e: {  	_ =	swait.ge [sflag:s22], s20  }
0x9f: {  	s3 =	ssub.s32 $0x0, s20;
	[sflag:s22] =	ssyncset.done $0x0  }
0xa0: {  	[sflag:s22] =	ssyncadd.s32 s3;
	_ =	sdelay $0x1  }
0xa1: {  	s23 =	simm.s32 $0x1B8B  }
0xa2: {  	_ =	swait.ge [sflag:s23], $0x1  }
0xa3: {  	[sflag:s23] =	ssyncset.done $0x0  }
0xa4: {  	s25 =	simm.s32 $0x1B8E;
	s24 =	sld [smem:$0x3FFE];
	[sflag:s23] =	ssyncadd.s32 $0xFFFFFFFF  }
0xa5: {  	s26 =	simm.s32 $execute0_lowered;
	[smem:$0x3FD2] =	sst s25  }
0xa6: {  	s4 =	sshll.u32 s26, $0x1;
	_ =	strace $0x80000046;
	[dreg:$0x1] =	wrdreg $0xFFFFFFFF  }
0xa7: {  	s28 =	simm.s32 $_size_execute0_lowered;
	s2 =	sadd.s32 s2, s4;
	[dreg:$0x0] =	wrdreg $0x0  }
0xa8: {  	s4 =	sshll.u32 s28, $0x1;
	[dreg:$0x2] =	wrdreg s2  }
0xa9: {  	[dreg:$0x3] =	wrdreg s4  }
0xaa: {  	[dreg:$0x4] =	wrdreg $0xC0  }
0xab: {  	_ =	task [dreg:s6], $0x5FFFF  }
0xac: {  	[dreg:$0x1] =	wrdreg $0xFFFFFFFF  }
0xad: {  	[dreg:$0x0] =	wrdreg $0x60  }
0xae: {  	[dreg:$0x2] =	wrdreg s24  }
0xaf: {  	[dreg:$0x3] =	wrdreg $0x9  }
0xb0: {  	_ =	task.clear_ibuf [dreg:s6], $0x4FFFF;
	_ =	strace $0x90000046  }
0xb1: {  	s29 =	simm.s32 $0x9;
	_ =	strace $0x80000048  }
0xb2: {  	_ =	swait.ge [sflag:s29], $0x1  }
0xb3: {  	[sflag:s29] =	ssyncadd.s32 $0xFFFFFFFF  }
0xb4: {  	_ =	strace $0x90000048  }
0xb5: {  	_ =	sfence  }
0xb6: {  	s30 =	sld [smem:$0x0];
	_ =	sdelay $0x2  }
0xb7: {  	s31 =	sshll.u32 s1, $0xD;
	s1 =	sshrl.u32 s1, $0x2  }
0xb8: {  	s3 =	sand.u32 $0x4000, s31;
	s1 =	sadd.s32 s1, s30  }
0xb9: {  	s0 =	sor.u32 s3, s0;
	s1 =	sshll.u32 s1, $0x11  }
0xba: {  	s0 =	sor.u32 s1, s0  }
0xbb: {  	s0 =	sadd.s32 $0x8F2B, s0  }
0xbc: {  	[sflag:s0] =	ssyncadd.remote.s32 $0x1  }
0xbd: {  	_ =	sfence.sel $0xFFFF  }
0xbe: {  	[dreg:$0x0] =	wrdreg $0xFFFFFFFF;
	(pc) =	sbr.abs _section_cstart, $3  }
0xbf: {  	[dreg:$0x1] =	wrdreg $0xFFFFFFFF  }
0xc0: {  	_ =	task.clear_ibuf [dreg:s6], $0x2FFFF;
	_ =	strace $0x9FFFFFFF  }
0xc1: {  	(tm) =	ssettm $0x7FFFFFFF  }
tec
execute0_lowered:
.L_overlay_start_1:
0x0: {  	(tag) =	ssettag $0x1  }
0x1: {  	s1 =	srdreg.scid;
	s0 =	stileid.u32  }
0x2: {  	s4 =	sand.u32 $0x1, s1;
	s2 =	sshll.u32 s0, $0x1  }
0x3: {  	s5 =	sor.u32 s4, s2;
	s4 =	ssub.s32 $0x2, s4  }
0x4: {  	s6 =	sshrl.u32 s4, $0x1  }
0x5: {  	s4 =	ssub.s32 s4, s6  }
0x6: {  	s3 =	rddreg [dreg:$0x0];
	s5 =	smul.u32 $0x500, s5;
	s31 =	smax.u32 s4, $0x1  }
0x7: {  	s1 =	rddreg [dreg:$0x1];
	s2 =	simm.s32 $0x0;
	p0 =	sne.s32 s31, $0x1  }
.Ltmp0:
0x8: {  	[smem:$0x7FF] =	sst s2;
	s3 =	sadd.s32 s5, s3;
	(pc) =	sbr.rel @!p0 .LBB2_2-.Ltmp0, $4  }
0x9: {  	_ =	strace $0x80000047;
	s4 =	simm.s32 $0x1;
	s3 =	sadd.s32 $0x3D600, s3  }
0xa: {  	[hbm4b:s3+s2] =	stream.linear.scatter [tilespmem:s2], [sflag:$0x1], $0x2800, $0x38;
	[tilespmem:$0x2800] =	vst v63  }
0xb: {  	_ =	swait.ge [sflag:s4], $0x2800  }
0xc: {  	s5 =	sadd.s32 $0xFFFFFFFF, s31;
	[sflag:s4] =	ssyncset.done $0x0  }
.LBB2_1:
0xd: {  	p0 =	sne.s32 s5, $0x1;
	s5 =	sadd.s32 $0xFFFFFFFF, s5;
	[sflag:s4] =	ssyncadd.s32 $0xFFFFD800  }
.Ltmp1:
0xe: {  	(pc) =	sbr.rel @p0 .LBB2_1-.Ltmp1, $4  }
0xf: {  	_ = 	snop  }
0x10: {  	[hbm4b:s3+s2] =	stream.linear.scatter [tilespmem:s2], [sflag:$0x1], $0x2800, $0x38;
	[tilespmem:$0x2800] =	vst v63  }
0x11: {  	_ =	swait.ge [sflag:s4], $0x2800  }
0x12: {  	[sflag:s4] =	ssyncset.done $0x0  }
.LBB2_2:
0x13: {  	[sflag:s4] =	ssyncadd.s32 $0xFFFFD800  }
0x14: {  	_ =	sfence.sel $0x180000  }
0x15: {  	[bflag:$0x0] =	sbarrier.arrive $0xFFFF  }
0x16: {  	p0 =	sne.s32 s0, $0x0;
	_ =	strace $0x90000047  }
0x17: {  	s0 =	sadd.s32 @!p0 $0x100000, s1;
	[bflag:$0x2] =	sbarrier.arrive $0xFFFF  }
0x18: {  	[sflag:s0] =	ssyncadd.tile.s32 @!p0 $0x1;
	_ =	shalt  }
.Lfunc_end2:
_tile_overlayer_lowered:
.L_overlay_start_2:
0x19: {  	(tag) =	ssettag $0x2  }
0x1a: {  	s0 =	rddreg [dreg:$0x0];
	s2 =	stileid.u32  }
0x1b: {  	s1 =	rddreg [dreg:$0x1];
	p0 =	sne.s32 s2, $0x0  }
0x1c: {  	s3 =	rddreg [dreg:$0x2];
	[bflag:$0x3] =	sbarrier.arrive $0xFFFF;
	s2 =	simm.s32 @!p0 $0x1C01  }
0x1d: {  	[timem:s3], [sflag:s2] =	dma.local @!p0 [hbm:s0], s1  }
0x1e: {  	s0 =	simm.s32 @!p0 $0x1  }
0x1f: {  	_ =	swait.ge @!p0 [sflag:s0], s1  }
0x20: {  	s1 =	ssub.s32 @!p0 $0x0, s1;
	[sflag:s0] =	ssyncset.done @!p0 $0x0  }
0x21: {  	[sflag:s0] =	ssyncadd.s32 @!p0 s1  }
0x22: {  	[bflag:$0x3] =	sbarrier.arrive $0xFFFF  }
0x23: {  	_ =	shalt  }

// kernel: kernel.9.cloned.1.call-start
scs
__scs_entry_jumppad:
0x0: {  	(pc) =	sbr.rel $0x88, $3  }
0x1: {  	(tag) =	ssettag $0x0;
	lr =	simm.s32 $0x1  }
0x2: {  	[smem:$0x3F99] =	sst lr;
	_ =	strace $0xD0000000  }
0x3: {  	_ = 	snop  }
0x4: {  	_ = 	snop  }
0x5: {  	_ = 	snop  }
0x6: {  	_ = 	snop  }
0x7: {  	_ = 	snop  }
__scs_overlays_trampoline_lowered:
0x8: {  	[smem:$0x3FA8] =	sst s0  }
0x9: {  	[smem:$0x3FA9] =	sst s1  }
0xa: {  	[smem:$0x3FAA] =	sst s2  }
0xb: {  	[smem:$0x3FAB] =	sst s3  }
0xc: {  	[smem:$0x3FAC] =	sst s4  }
0xd: {  	[smem:$0x3FAD] =	sst s5  }
0xe: {  	[smem:$0x3FAE] =	sst s6  }
0xf: {  	[smem:$0x3FAF] =	sst s7  }
0x10: {  	[smem:$0x3FB0] =	sst s8  }
0x11: {  	[smem:$0x3FB1] =	sst s9;
	s0 =	simm.s32 @!p0 $0x0  }
0x12: {  	s1 =	sld [smem:$0x3F97];
	s0 =	simm.s32 @p0 $0x1  }
0x13: {  	[smem:$0x3FB2] =	sst s0;
	s0 =	simm.s32 @!p1 $0x0  }
0x14: {  	s2 =	sld [smem:$0x3F96];
	s0 =	simm.s32 @p1 $0x1  }
0x15: {  	[smem:$0x3FB3] =	sst s0;
	s0 =	simm.s32 @!p2 $0x0  }
0x16: {  	s3 =	sld [smem:$0x3FDB];
	s0 =	simm.s32 @p2 $0x1  }
0x17: {  	s4 =	simm.s32 $0x1BF5;
	[smem:$0x3FB5] =	sst s0  }
0x18: {  	s0 =	sld [smem:$0x3F98];
	_ =	swait.ge [sflag:s4], $0x0  }
0x19: {  	s7 =	sld [smem:$0x3F99]  }
0x1a: {  	s8 =	sadd.s32 $0xFFFFE003, lr  }
0x1b: {  	s9 =	sadd.s32 $0xFFFFFEF7, lr;
	s5 =	simm.s32 $0xFFFFFFFF;
	p2 =	slt.u32 s8, $0xFFFFF086  }
0x1c: {  	p1 =	slt.u32 s9, $0xF7A;
	s5 =	simm.s32 @!p2 $0x0  }
0x1d: {  	s5 =	simm.s32 @p1 $0x1;
	p0 =	seq.s32 s7, s2  }
0x1e: {  	s7 =	smul.u32 @!p0 $0xF7A, s2;
	p2 =	seq.s32 @!p0 s5, $0x0  }
0x1f: {  	s9 =	smul.u32 $0xF7A, s1;
	s8 =	simm.s32 @!p0 $0x1BF5;
	p2 =	por !p2, p0  }
0x20: {  	[sflag:s8] =	ssyncset.s32 @!p0 $0xFFFFF086;
	s6 =	sadd.s32 @!p0 s3, s7;
	s7 =	simm.s32 @!p0 $0x108  }
0x21: {  	s3 =	sadd.s32 s3, s9;
	s6 =	sadd.s32 @!p0 $0x88, s6;
	s7 =	simm.s32 @p2 $0x1082  }
0x22: {  	[simem:s7], [sflag:s8] =	dma.local @!p0 [hbm:s6], $0xF7A  }
0x23: {  	s9 =	sor.u32 $0xD0000000, s2;
	s6 =	simm.s32 $0x108;
	_ =	swait.ge @!p0 [sflag:s8], $0x0  }
0x24: {  	s3 =	sadd.s32 $0x88, s3;
	s6 =	simm.s32 @!p1 $0x1082;
	[sflag:s4] =	ssyncset.s32 $0xFFFFF086  }
0x25: {  	[simem:s6], [sflag:s4] =	dma.local [hbm:s3], $0xF7A  }
0x26: {  	[smem:$0x3F99] =	sst s1;
	(tag) =	ssettag s2;
	_ =	strace s9  }
0x27: {  	s1 =	sld [smem:$0x3FA9]  }
0x28: {  	s2 =	sld [smem:$0x3FAA]  }
0x29: {  	s4 =	sld [smem:$0x3FAC]  }
0x2a: {  	p0 =	seq.s32 s5, $0x0;
	s5 =	sld [smem:$0x3FAD]  }
0x2b: {  	s6 =	sld [smem:$0x3FAE]  }
0x2c: {  	s7 =	sld [smem:$0x3FAF]  }
0x2d: {  	s3 =	simm.s32 $0x108;
	s8 =	sld [smem:$0x3FB0]  }
0x2e: {  	s3 =	simm.s32 @!p0 $0x1082;
	s9 =	sld [smem:$0x3FB1]  }
0x2f: {  	lr =	sadd.s32 s0, s3;
	s0 =	sld [smem:$0x3FA8]  }
0x30: {  	s3 =	sld [smem:$0x3FAB]  }
0x31: {  	[smem:$0x3FB4] =	sst s10  }
0x32: {  	s10 =	sld [smem:$0x3FB2];
	_ =	sdelay $0x3  }
0x33: {  	p0 =	seq.s32 s10, $0x1;
	s10 =	sld [smem:$0x3FB4];
	_ =	sdelay $0x3  }
0x34: {  	[smem:$0x3FB4] =	sst s10  }
0x35: {  	s10 =	sld [smem:$0x3FB3];
	_ =	sdelay $0x3  }
0x36: {  	p1 =	seq.s32 s10, $0x1;
	s10 =	sld [smem:$0x3FB4];
	_ =	sdelay $0x3  }
0x37: {  	[smem:$0x3FB4] =	sst s10  }
0x38: {  	s10 =	sld [smem:$0x3FB5]  }
0x39: {  	_ = 	snop;
	(pc) =	sbr.ind lr, $3  }
0x3a: {  	_ = 	snop  }
0x3b: {  	_ = 	snop  }
0x3c: {  	p2 =	seq.s32 s10, $0x1;
	s10 =	sld [smem:$0x3FB4]  }
0x3d: {  	_ =	shalt  }
0x3e: {  	_ =	shalt  }
0x3f: {  	_ =	shalt  }
0x40: {  	_ =	shalt  }
0x41: {  	_ =	shalt  }
0x42: {  	_ =	shalt  }
0x43: {  	_ =	shalt  }
0x44: {  	_ =	shalt  }
0x45: {  	_ =	shalt  }
0x46: {  	_ =	shalt  }
0x47: {  	_ =	shalt  }
0x48: {  	_ =	shalt  }
0x49: {  	_ =	shalt  }
0x4a: {  	_ =	shalt  }
0x4b: {  	_ =	shalt  }
0x4c: {  	_ =	shalt  }
0x4d: {  	_ =	shalt  }
0x4e: {  	_ =	shalt  }
0x4f: {  	_ =	shalt  }
0x50: {  	_ =	shalt  }
0x51: {  	_ =	shalt  }
0x52: {  	_ =	shalt  }
0x53: {  	_ =	shalt  }
0x54: {  	_ =	shalt  }
0x55: {  	_ =	shalt  }
0x56: {  	_ =	shalt  }
0x57: {  	_ =	shalt  }
0x58: {  	_ =	shalt  }
0x59: {  	_ =	shalt  }
0x5a: {  	_ =	shalt  }
0x5b: {  	_ =	shalt  }
0x5c: {  	_ =	shalt  }
0x5d: {  	_ =	shalt  }
0x5e: {  	_ =	shalt  }
0x5f: {  	_ =	shalt  }
0x60: {  	_ =	shalt  }
0x61: {  	_ =	shalt  }
0x62: {  	_ =	shalt  }
0x63: {  	_ =	shalt  }
0x64: {  	_ =	shalt  }
0x65: {  	_ =	shalt  }
0x66: {  	_ =	shalt  }
0x67: {  	_ =	shalt  }
0x68: {  	_ =	shalt  }
0x69: {  	_ =	shalt  }
0x6a: {  	_ =	shalt  }
0x6b: {  	_ =	shalt  }
0x6c: {  	_ =	shalt  }
0x6d: {  	_ =	shalt  }
0x6e: {  	_ =	shalt  }
0x6f: {  	_ =	shalt  }
0x70: {  	_ =	shalt  }
0x71: {  	_ =	shalt  }
0x72: {  	_ =	shalt  }
0x73: {  	_ =	shalt  }
0x74: {  	_ =	shalt  }
0x75: {  	_ =	shalt  }
0x76: {  	_ =	shalt  }
0x77: {  	_ =	shalt  }
0x78: {  	_ =	shalt  }
0x79: {  	_ =	shalt  }
0x7a: {  	_ =	shalt  }
0x7b: {  	_ =	shalt  }
0x7c: {  	_ =	shalt  }
0x7d: {  	_ =	shalt  }
0x7e: {  	_ =	shalt  }
0x7f: {  	_ =	shalt  }
0x80: {  	_ =	shalt  }
0x81: {  	_ =	shalt  }
0x82: {  	_ =	shalt  }
0x83: {  	_ =	shalt  }
0x84: {  	_ =	shalt  }
0x85: {  	_ =	shalt  }
0x86: {  	_ =	shalt  }
0x87: {  	_ =	shalt  }
.Lfunc_end0:
.L_simem_size_0:
called_computation.1_lowered:
.L_overlay_start_0:
0x88: {  	s2 =	sld [smem:$0x3FD9]  }
0x89: {  	s3 =	sld [smem:$0x3FFE];
	_ =	sdelay $0x1  }
0x8a: {  	s1 =	srdreg.scid  }
0x8b: {  	s0 =	sand.u32 $0x1, s1  }
0x8c: {  	s16 =	sshll.u32 s0, $0xA;
	s2 =	sadd.s32 s3, s2  }
0x8d: {  	s2 =	sadd.s32 s2, s16  }
0x8e: {  	[smem:$0x3FC0] =	sst s2  }
0x8f: {  	_ = 	snop  }
0x90: {  	(tm) =	ssettm $0x1  }
0x91: {  	s17 =	sld [smem:$0x3FFB];
	_ =	sdelay $0x3  }
0x92: {  	_ =	strace s17  }
0x93: {  	s2 =	sld [smem:$0x3FFC];
	_ =	sdelay $0x3  }
0x94: {  	_ =	strace s2  }
0x95: {  	s2 =	sld [smem:$0x3FFD];
	_ =	sdelay $0x3  }
0x96: {  	_ =	strace s2  }
0x97: {  	_ =	strace $0x8FFFFFFF  }
0x98: {  	s18 =	sld [smem:$0x3FDB];
	_ =	sdelay $0x1  }
0x99: {  	s19 =	simm.s32 $_scs_section_size  }
0x9a: {  	s4 =	simm.s32 $_size__tile_overlayer_lowered;
	s5 =	simm.s32 $_tile_overlayer_lowered  }
0x9b: {  	s22 =	simm.s32 $0x1BFF;
	s21 =	sshll.u32 s5, $0x1;
	s2 =	sadd.s32 s19, s18  }
0x9c: {  	s6 =	simm.s32 $0x0;
	s20 =	sshll.u32 s4, $0x1;
	s4 =	sadd.s32 s21, s2  }
0x9d: {  	[timem:s6], [sflag:s22] =	dma.local [hbm:s4], s20  }
0x9e: {  	_ =	swait.ge [sflag:s22], s20  }
0x9f: {  	s3 =	ssub.s32 $0x0, s20;
	[sflag:s22] =	ssyncset.done $0x0  }
0xa0: {  	[sflag:s22] =	ssyncadd.s32 s3;
	_ =	sdelay $0x1  }
0xa1: {  	s23 =	simm.s32 $0x1B8B  }
0xa2: {  	_ =	swait.ge [sflag:s23], $0x1  }
0xa3: {  	[sflag:s23] =	ssyncset.done $0x0  }
0xa4: {  	s25 =	simm.s32 $0x1B8E;
	s24 =	sld [smem:$0x3FFE];
	[sflag:s23] =	ssyncadd.s32 $0xFFFFFFFF  }
0xa5: {  	s26 =	simm.s32 $execute0_lowered;
	[smem:$0x3FD2] =	sst s25  }
0xa6: {  	s4 =	sshll.u32 s26, $0x1;
	_ =	strace $0x80000049;
	[dreg:$0x1] =	wrdreg $0xFFFFFFFF  }
0xa7: {  	s28 =	simm.s32 $_size_execute0_lowered;
	s2 =	sadd.s32 s2, s4;
	[dreg:$0x0] =	wrdreg $0x0  }
0xa8: {  	s4 =	sshll.u32 s28, $0x1;
	[dreg:$0x2] =	wrdreg s2  }
0xa9: {  	[dreg:$0x3] =	wrdreg s4  }
0xaa: {  	[dreg:$0x4] =	wrdreg $0xC0  }
0xab: {  	_ =	task [dreg:s6], $0x5FFFF  }
0xac: {  	[dreg:$0x1] =	wrdreg $0xFFFFFFFF  }
0xad: {  	[dreg:$0x0] =	wrdreg $0x60  }
0xae: {  	[dreg:$0x2] =	wrdreg s24  }
0xaf: {  	[dreg:$0x3] =	wrdreg $0x9  }
0xb0: {  	_ =	task.clear_ibuf [dreg:s6], $0x4FFFF;
	_ =	strace $0x90000049  }
0xb1: {  	s29 =	simm.s32 $0x9;
	_ =	strace $0x8000004B  }
0xb2: {  	_ =	swait.ge [sflag:s29], $0x1  }
0xb3: {  	[sflag:s29] =	ssyncadd.s32 $0xFFFFFFFF  }
0xb4: {  	_ =	strace $0x9000004B  }
0xb5: {  	_ =	sfence  }
0xb6: {  	s30 =	sld [smem:$0x0];
	_ =	sdelay $0x2  }
0xb7: {  	s31 =	sshll.u32 s1, $0xD;
	s1 =	sshrl.u32 s1, $0x2  }
0xb8: {  	s3 =	sand.u32 $0x4000, s31;
	s1 =	sadd.s32 s1, s30  }
0xb9: {  	s0 =	sor.u32 s3, s0;
	s1 =	sshll.u32 s1, $0x11  }
0xba: {  	s0 =	sor.u32 s1, s0  }
0xbb: {  	s0 =	sadd.s32 $0x8F2B, s0  }
0xbc: {  	[sflag:s0] =	ssyncadd.remote.s32 $0x1  }
0xbd: {  	_ =	sfence.sel $0xFFFF  }
0xbe: {  	[dreg:$0x0] =	wrdreg $0xFFFFFFFF;
	(pc) =	sbr.abs _section_cstart, $3  }
0xbf: {  	[dreg:$0x1] =	wrdreg $0xFFFFFFFF  }
0xc0: {  	_ =	task.clear_ibuf [dreg:s6], $0x2FFFF;
	_ =	strace $0x9FFFFFFF  }
0xc1: {  	(tm) =	ssettm $0x7FFFFFFF  }
tec
execute0_lowered:
.L_overlay_start_1:
0x0: {  	(tag) =	ssettag $0x1  }
0x1: {  	s1 =	srdreg.scid;
	s0 =	stileid.u32  }
0x2: {  	s4 =	sand.u32 $0x1, s1;
	s2 =	sshll.u32 s0, $0x1  }
0x3: {  	s5 =	sor.u32 s4, s2;
	s4 =	ssub.s32 $0x2, s4  }
0x4: {  	s6 =	sshrl.u32 s4, $0x1  }
0x5: {  	s4 =	ssub.s32 s4, s6  }
0x6: {  	s3 =	rddreg [dreg:$0x0];
	s5 =	smul.u32 $0x500, s5;
	s31 =	smax.u32 s4, $0x1  }
0x7: {  	s1 =	rddreg [dreg:$0x1];
	s2 =	simm.s32 $0x0;
	p0 =	sne.s32 s31, $0x1  }
.Ltmp0:
0x8: {  	[smem:$0x7FF] =	sst s2;
	s3 =	sadd.s32 s5, s3;
	(pc) =	sbr.rel @!p0 .LBB2_2-.Ltmp0, $4  }
0x9: {  	_ =	strace $0x8000004A;
	s4 =	simm.s32 $0x1;
	s3 =	sadd.s32 $0x15600, s3  }
0xa: {  	[hbm4b:s3+s2] =	stream.linear.scatter [tilespmem:s2], [sflag:$0x1], $0x2800, $0x38;
	[tilespmem:$0x2800] =	vst v63  }
0xb: {  	_ =	swait.ge [sflag:s4], $0x2800  }
0xc: {  	s5 =	sadd.s32 $0xFFFFFFFF, s31;
	[sflag:s4] =	ssyncset.done $0x0  }
.LBB2_1:
0xd: {  	p0 =	sne.s32 s5, $0x1;
	s5 =	sadd.s32 $0xFFFFFFFF, s5;
	[sflag:s4] =	ssyncadd.s32 $0xFFFFD800  }
.Ltmp1:
0xe: {  	(pc) =	sbr.rel @p0 .LBB2_1-.Ltmp1, $4  }
0xf: {  	_ = 	snop  }
0x10: {  	[hbm4b:s3+s2] =	stream.linear.scatter [tilespmem:s2], [sflag:$0x1], $0x2800, $0x38;
	[tilespmem:$0x2800] =	vst v63  }
0x11: {  	_ =	swait.ge [sflag:s4], $0x2800  }
0x12: {  	[sflag:s4] =	ssyncset.done $0x0  }
.LBB2_2:
0x13: {  	[sflag:s4] =	ssyncadd.s32 $0xFFFFD800  }
0x14: {  	_ =	sfence.sel $0x180000  }
0x15: {  	[bflag:$0x0] =	sbarrier.arrive $0xFFFF  }
0x16: {  	p0 =	sne.s32 s0, $0x0;
	_ =	strace $0x9000004A  }
0x17: {  	s0 =	sadd.s32 @!p0 $0x100000, s1;
	[bflag:$0x2] =	sbarrier.arrive $0xFFFF  }
0x18: {  	[sflag:s0] =	ssyncadd.tile.s32 @!p0 $0x1;
	_ =	shalt  }
.Lfunc_end2:
_tile_overlayer_lowered:
.L_overlay_start_2:
0x19: {  	(tag) =	ssettag $0x2  }
0x1a: {  	s0 =	rddreg [dreg:$0x0];
	s2 =	stileid.u32  }
0x1b: {  	s1 =	rddreg [dreg:$0x1];
	p0 =	sne.s32 s2, $0x0  }
0x1c: {  	s3 =	rddreg [dreg:$0x2];
	[bflag:$0x3] =	sbarrier.arrive $0xFFFF;
	s2 =	simm.s32 @!p0 $0x1C01  }
0x1d: {  	[timem:s3], [sflag:s2] =	dma.local @!p0 [hbm:s0], s1  }
0x1e: {  	s0 =	simm.s32 @!p0 $0x1  }
0x1f: {  	_ =	swait.ge @!p0 [sflag:s0], s1  }
0x20: {  	s1 =	ssub.s32 @!p0 $0x0, s1;
	[sflag:s0] =	ssyncset.done @!p0 $0x0  }
0x21: {  	[sflag:s0] =	ssyncadd.s32 @!p0 s1  }
0x22: {  	[bflag:$0x3] =	sbarrier.arrive $0xFFFF  }
0x23: {  	_ =	shalt  }

</sc_bundles>
